<compile_context>
chip_gen: v7x
topology: tpu7x:2x2x1
jax: 0.10.2.dev20260603
libtpu: 0.0.44.dev20260713+nightly
codegen_flags: <defaults>
</compile_context>

<pallas_src>
import jax
import jax.numpy as jnp
from jax import lax
from jax.experimental import pallas as pl
from jax.experimental.pallas import tpu as pltpu
from jax.experimental.pallas import tpu_sc as plsc

B = 16384
D = 32
NC = 2
NS = 16
NW = NC * NS
BPW = B // NW
NT = 4


def _emb_body(cat_i, sub_i, ele_i, brd_i,
              cat_t, sub_t, ele_t, brd_t,
              out,
              idx0, idx1, idx2, idx3,
              rows0, rows1, rows2, rows3,
              sem_i, sem_g, sem_o):
    wid = lax.axis_index("s") * NC + lax.axis_index("c")
    base = wid * BPW
    idxs = (idx0, idx1, idx2, idx3)
    rows = (rows0, rows1, rows2, rows3)
    tabs = (cat_t, sub_t, ele_t, brd_t)

    ics = [
        pltpu.async_copy(s.at[pl.ds(base, BPW)], idxs[t], sem_i)
        for t, s in enumerate((cat_i, sub_i, ele_i, brd_i))
    ]
    for c in ics:
        c.wait()

    gcs = [
        pltpu.async_copy(tabs[t].at[idxs[t]], rows[t], sem_g)
        for t in range(NT)
    ]
    ocs = []
    for t in range(NT):
        gcs[t].wait()
        ocs.append(pltpu.async_copy(
            rows[t], out.at[pl.ds(t * B + base, BPW)], sem_o))
    for c in ocs:
        c.wait()


def kernel(categories, sub_categories, elements, brands,
           category_table, sub_category_table, element_table, brand_table):
    mesh = plsc.VectorSubcoreMesh(core_axis_name="c", subcore_axis_name="s")
    f = pl.kernel(
        _emb_body,
        mesh=mesh,
        compiler_params=pltpu.CompilerParams(use_tc_tiling_on_sc=False),
        out_type=jax.ShapeDtypeStruct((NT * B, D), jnp.float32),
        scratch_types=(
            [pltpu.VMEM((BPW,), jnp.int32) for _ in range(NT)]
            + [pltpu.VMEM((BPW, D), jnp.float32) for _ in range(NT)]
            + [pltpu.SemaphoreType.DMA,
               pltpu.SemaphoreType.DMA,
               pltpu.SemaphoreType.DMA]
        ),
    )
    return f(categories, sub_categories, elements, brands,
             category_table, sub_category_table, element_table, brand_table)

# --- scband reference (transcript-rebuilt; emitter-appended) ---
"""Pipeline reference for scband-node-embedding-84430467105006 (READ-ONLY COPY).

The authoritative reference and input builder live on the scoring server;
editing this copy changes nothing except your own understanding.
"""

import jax, jax.numpy as jnp
import numpy as np

B = 16384
EMBED_DIM = 32
NUM_CATEGORIES = 1000
NUM_SUB_CATEGORIES = 100000
NUM_ELEMENTS = 1000000
NUM_BRANDS = 100000


def setup_inputs(seed: int = 0) -> dict:
    key = jax.random.key(seed)
    ks = jax.random.split(key, 8)
    categories = jax.random.randint(ks[0], (B,), 0, NUM_CATEGORIES, dtype=jnp.int64 if jax.config.jax_enable_x64 else jnp.int32)
    sub_categories = jax.random.randint(ks[1], (B,), 0, NUM_SUB_CATEGORIES, dtype=jnp.int64 if jax.config.jax_enable_x64 else jnp.int32)
    elements = jax.random.randint(ks[2], (B,), 0, NUM_ELEMENTS, dtype=jnp.int64 if jax.config.jax_enable_x64 else jnp.int32)
    brands = jax.random.randint(ks[3], (B,), 0, NUM_BRANDS, dtype=jnp.int64 if jax.config.jax_enable_x64 else jnp.int32)
    # Embedding tables (learned params), N(0,1) like torch.nn.Embedding default
    category_table = jax.random.normal(ks[4], (NUM_CATEGORIES, EMBED_DIM), dtype=jnp.float32)
    sub_category_table = jax.random.normal(ks[5], (NUM_SUB_CATEGORIES, EMBED_DIM), dtype=jnp.float32)
    element_table = jax.random.normal(ks[6], (NUM_ELEMENTS, EMBED_DIM), dtype=jnp.float32)
    brand_table = jax.random.normal(ks[7], (NUM_BRANDS, EMBED_DIM), dtype=jnp.float32)
    return {
        "categories": categories,
        "sub_categories": sub_categories,
        "elements": elements,
        "brands": brands,
        "category_table": category_table,
        "sub_category_table": sub_category_table,
        "element_table": element_table,
        "brand_table": brand_table,
    }


def reference(categories, sub_categories, elements, brands,
              category_table, sub_category_table, element_table, brand_table):
    category_emb = jnp.take(category_table, categories, axis=0)
    sub_category_emb = jnp.take(sub_category_table, sub_categories, axis=0)
    element_emb = jnp.take(element_table, elements, axis=0)
    brand_emb = jnp.take(brand_table, brands, axis=0)
    # torch.cat with default dim=0
    return jnp.concatenate([category_emb, sub_category_emb, element_emb, brand_emb], axis=0)

if __name__ == "__main__":
    import jax
    _d = setup_inputs()
    print(jax.jit(kernel)(*tuple(_d.values())))

</pallas_src>

<mosaic_0001>
#map = affine_map<(d0, d1) -> (0)>
#map1 = affine_map<(d0, d1) -> (0, 0)>
module attributes {stable_mosaic.version = 14 : i64} {
  func.func @_emb_body(%arg0: i32, %arg1: i32, %arg2: memref<16384xi32, #tpu.memory_space<hbm>>, %arg3: memref<16384xi32, #tpu.memory_space<hbm>>, %arg4: memref<16384xi32, #tpu.memory_space<hbm>>, %arg5: memref<16384xi32, #tpu.memory_space<hbm>>, %arg6: memref<1000x32xf32, #tpu.memory_space<hbm>>, %arg7: memref<100000x32xf32, #tpu.memory_space<hbm>>, %arg8: memref<1000000x32xf32, #tpu.memory_space<hbm>>, %arg9: memref<100000x32xf32, #tpu.memory_space<hbm>>, %arg10: memref<65536x32xf32, #tpu.memory_space<hbm>>, %arg11: memref<512xi32, #tpu.memory_space<vmem>>, %arg12: memref<512xi32, #tpu.memory_space<vmem>>, %arg13: memref<512xi32, #tpu.memory_space<vmem>>, %arg14: memref<512xi32, #tpu.memory_space<vmem>>, %arg15: memref<512x32xf32, #tpu.memory_space<vmem>>, %arg16: memref<512x32xf32, #tpu.memory_space<vmem>>, %arg17: memref<512x32xf32, #tpu.memory_space<vmem>>, %arg18: memref<512x32xf32, #tpu.memory_space<vmem>>, %arg19: memref<!tpu.dma_semaphore, #tpu.memory_space<semaphore_mem>>, %arg20: memref<!tpu.dma_semaphore, #tpu.memory_space<semaphore_mem>>, %arg21: memref<!tpu.dma_semaphore, #tpu.memory_space<semaphore_mem>>) attributes {dimension_semantics = [#tpu.dimension_semantics<core_parallel>, #tpu.dimension_semantics<subcore_parallel>], iteration_bounds = array<i64: 2, 16>, scalar_prefetch = 0 : i64, scratch_operands = 11 : i64, tpu.core_type = #tpu.core_type<sc_vector_subcore>, window_params = [{transform_indices = #map}, {transform_indices = #map}, {transform_indices = #map}, {transform_indices = #map}, {transform_indices = #map1}, {transform_indices = #map1}, {transform_indices = #map1}, {transform_indices = #map1}, {transform_indices = #map1}]} {
    %mul3A = arith.constant 2 : i32
    %mul3A_0 = arith.muli %arg1, %mul3A : i32
    %add3A = arith.addi %mul3A_0, %arg0 : i32
    %mul3A_1 = arith.constant 512 : i32
    %mul3A_2 = arith.muli %add3A, %mul3A_1 : i32
    %dma_start3A = tpu.memref_slice %arg2[%mul3A_2] : memref<16384xi32, #tpu.memory_space<hbm>> -> memref<512xi32, #tpu.memory_space<hbm>>
    %dma_start3A_3 = tpu.memref_slice %arg2[%mul3A_2] : memref<16384xi32, #tpu.memory_space<hbm>> -> memref<512xi32, #tpu.memory_space<hbm>>
    tpu.enqueue_dma source(%dma_start3A_3 : memref<512xi32, #tpu.memory_space<hbm>>) target(%arg11 : memref<512xi32, #tpu.memory_space<vmem>>) target_semaphore(%arg19 : memref<!tpu.dma_semaphore, #tpu.memory_space<semaphore_mem>>)
    %dma_start3A_4 = tpu.memref_slice %arg3[%mul3A_2] : memref<16384xi32, #tpu.memory_space<hbm>> -> memref<512xi32, #tpu.memory_space<hbm>>
    %dma_start3A_5 = tpu.memref_slice %arg3[%mul3A_2] : memref<16384xi32, #tpu.memory_space<hbm>> -> memref<512xi32, #tpu.memory_space<hbm>>
    tpu.enqueue_dma source(%dma_start3A_5 : memref<512xi32, #tpu.memory_space<hbm>>) target(%arg12 : memref<512xi32, #tpu.memory_space<vmem>>) target_semaphore(%arg19 : memref<!tpu.dma_semaphore, #tpu.memory_space<semaphore_mem>>)
    %dma_start3A_6 = tpu.memref_slice %arg4[%mul3A_2] : memref<16384xi32, #tpu.memory_space<hbm>> -> memref<512xi32, #tpu.memory_space<hbm>>
    %dma_start3A_7 = tpu.memref_slice %arg4[%mul3A_2] : memref<16384xi32, #tpu.memory_space<hbm>> -> memref<512xi32, #tpu.memory_space<hbm>>
    tpu.enqueue_dma source(%dma_start3A_7 : memref<512xi32, #tpu.memory_space<hbm>>) target(%arg13 : memref<512xi32, #tpu.memory_space<vmem>>) target_semaphore(%arg19 : memref<!tpu.dma_semaphore, #tpu.memory_space<semaphore_mem>>)
    %dma_start3A_8 = tpu.memref_slice %arg5[%mul3A_2] : memref<16384xi32, #tpu.memory_space<hbm>> -> memref<512xi32, #tpu.memory_space<hbm>>
    %dma_start3A_9 = tpu.memref_slice %arg5[%mul3A_2] : memref<16384xi32, #tpu.memory_space<hbm>> -> memref<512xi32, #tpu.memory_space<hbm>>
    tpu.enqueue_dma source(%dma_start3A_9 : memref<512xi32, #tpu.memory_space<hbm>>) target(%arg14 : memref<512xi32, #tpu.memory_space<vmem>>) target_semaphore(%arg19 : memref<!tpu.dma_semaphore, #tpu.memory_space<semaphore_mem>>)
    %dma_wait3A = tpu.memref_slice %arg2[%mul3A_2] : memref<16384xi32, #tpu.memory_space<hbm>> -> memref<512xi32, #tpu.memory_space<hbm>>
    %dma_wait3A_10 = tpu.memref_slice %arg2[%mul3A_2] : memref<16384xi32, #tpu.memory_space<hbm>> -> memref<512xi32, #tpu.memory_space<hbm>>
    tpu.wait_dma2 semaphore(%arg19 : memref<!tpu.dma_semaphore, #tpu.memory_space<semaphore_mem>>) src(%dma_wait3A_10 : memref<512xi32, #tpu.memory_space<hbm>>) dst(%arg11 : memref<512xi32, #tpu.memory_space<vmem>>)
    %dma_wait3A_11 = tpu.memref_slice %arg3[%mul3A_2] : memref<16384xi32, #tpu.memory_space<hbm>> -> memref<512xi32, #tpu.memory_space<hbm>>
    %dma_wait3A_12 = tpu.memref_slice %arg3[%mul3A_2] : memref<16384xi32, #tpu.memory_space<hbm>> -> memref<512xi32, #tpu.memory_space<hbm>>
    tpu.wait_dma2 semaphore(%arg19 : memref<!tpu.dma_semaphore, #tpu.memory_space<semaphore_mem>>) src(%dma_wait3A_12 : memref<512xi32, #tpu.memory_space<hbm>>) dst(%arg12 : memref<512xi32, #tpu.memory_space<vmem>>)
    %dma_wait3A_13 = tpu.memref_slice %arg4[%mul3A_2] : memref<16384xi32, #tpu.memory_space<hbm>> -> memref<512xi32, #tpu.memory_space<hbm>>
    %dma_wait3A_14 = tpu.memref_slice %arg4[%mul3A_2] : memref<16384xi32, #tpu.memory_space<hbm>> -> memref<512xi32, #tpu.memory_space<hbm>>
    tpu.wait_dma2 semaphore(%arg19 : memref<!tpu.dma_semaphore, #tpu.memory_space<semaphore_mem>>) src(%dma_wait3A_14 : memref<512xi32, #tpu.memory_space<hbm>>) dst(%arg13 : memref<512xi32, #tpu.memory_space<vmem>>)
    %dma_wait3A_15 = tpu.memref_slice %arg5[%mul3A_2] : memref<16384xi32, #tpu.memory_space<hbm>> -> memref<512xi32, #tpu.memory_space<hbm>>
    %dma_wait3A_16 = tpu.memref_slice %arg5[%mul3A_2] : memref<16384xi32, #tpu.memory_space<hbm>> -> memref<512xi32, #tpu.memory_space<hbm>>
    tpu.wait_dma2 semaphore(%arg19 : memref<!tpu.dma_semaphore, #tpu.memory_space<semaphore_mem>>) src(%dma_wait3A_16 : memref<512xi32, #tpu.memory_space<hbm>>) dst(%arg14 : memref<512xi32, #tpu.memory_space<vmem>>)
    %dma_start3A_17 = arith.constant 0 : i32
    %dma_start3A_18 = arith.constant 0 : i32
    %dma_start3A_19 = tpu.memref_slice %arg6[%dma_start3A_17, %dma_start3A_18] : memref<1000x32xf32, #tpu.memory_space<hbm>> -> memref<1000x32xf32, #tpu.memory_space<hbm>>
    tpu.enqueue_indirect_dma source(%dma_start3A_19 : memref<1000x32xf32, #tpu.memory_space<hbm>>) target(%arg15 : memref<512x32xf32, #tpu.memory_space<vmem>>) offsets(%arg11 : memref<512xi32, #tpu.memory_space<vmem>>) semaphore(%arg20 : memref<!tpu.dma_semaphore, #tpu.memory_space<semaphore_mem>>)
    %dma_start3A_20 = arith.constant 0 : i32
    %dma_start3A_21 = arith.constant 0 : i32
    %dma_start3A_22 = tpu.memref_slice %arg7[%dma_start3A_20, %dma_start3A_21] : memref<100000x32xf32, #tpu.memory_space<hbm>> -> memref<100000x32xf32, #tpu.memory_space<hbm>>
    tpu.enqueue_indirect_dma source(%dma_start3A_22 : memref<100000x32xf32, #tpu.memory_space<hbm>>) target(%arg16 : memref<512x32xf32, #tpu.memory_space<vmem>>) offsets(%arg12 : memref<512xi32, #tpu.memory_space<vmem>>) semaphore(%arg20 : memref<!tpu.dma_semaphore, #tpu.memory_space<semaphore_mem>>)
    %dma_start3A_23 = arith.constant 0 : i32
    %dma_start3A_24 = arith.constant 0 : i32
    %dma_start3A_25 = tpu.memref_slice %arg8[%dma_start3A_23, %dma_start3A_24] : memref<1000000x32xf32, #tpu.memory_space<hbm>> -> memref<1000000x32xf32, #tpu.memory_space<hbm>>
    tpu.enqueue_indirect_dma source(%dma_start3A_25 : memref<1000000x32xf32, #tpu.memory_space<hbm>>) target(%arg17 : memref<512x32xf32, #tpu.memory_space<vmem>>) offsets(%arg13 : memref<512xi32, #tpu.memory_space<vmem>>) semaphore(%arg20 : memref<!tpu.dma_semaphore, #tpu.memory_space<semaphore_mem>>)
    %dma_start3A_26 = arith.constant 0 : i32
    %dma_start3A_27 = arith.constant 0 : i32
    %dma_start3A_28 = tpu.memref_slice %arg9[%dma_start3A_26, %dma_start3A_27] : memref<100000x32xf32, #tpu.memory_space<hbm>> -> memref<100000x32xf32, #tpu.memory_space<hbm>>
    tpu.enqueue_indirect_dma source(%dma_start3A_28 : memref<100000x32xf32, #tpu.memory_space<hbm>>) target(%arg18 : memref<512x32xf32, #tpu.memory_space<vmem>>) offsets(%arg14 : memref<512xi32, #tpu.memory_space<vmem>>) semaphore(%arg20 : memref<!tpu.dma_semaphore, #tpu.memory_space<semaphore_mem>>)
    %dma_wait3A_29 = arith.constant 0 : i32
    %dma_wait3A_30 = arith.constant 0 : i32
    %dma_wait3A_31 = tpu.memref_slice %arg6[%dma_wait3A_29, %dma_wait3A_30] : memref<1000x32xf32, #tpu.memory_space<hbm>> -> memref<1000x32xf32, #tpu.memory_space<hbm>>
    tpu.wait_indirect_dma semaphore(%arg20 : memref<!tpu.dma_semaphore, #tpu.memory_space<semaphore_mem>>) src(%dma_wait3A_31 : memref<1000x32xf32, #tpu.memory_space<hbm>>) dst(%arg15 : memref<512x32xf32, #tpu.memory_space<vmem>>)
    %add3A_32 = arith.constant 0 : i32
    %add3A_33 = arith.addi %add3A_32, %mul3A_2 : i32
    %dma_start3A_34 = arith.constant 0 : i32
    %dma_start3A_35 = tpu.memref_slice %arg10[%add3A_33, %dma_start3A_34] : memref<65536x32xf32, #tpu.memory_space<hbm>> -> memref<512x32xf32, #tpu.memory_space<hbm>>
    %dma_start3A_36 = arith.constant 0 : i32
    %dma_start3A_37 = tpu.memref_slice %arg10[%add3A_33, %dma_start3A_36] : memref<65536x32xf32, #tpu.memory_space<hbm>> -> memref<512x32xf32, #tpu.memory_space<hbm>>
    tpu.enqueue_dma source(%arg15 : memref<512x32xf32, #tpu.memory_space<vmem>>) target(%dma_start3A_37 : memref<512x32xf32, #tpu.memory_space<hbm>>) target_semaphore(%arg21 : memref<!tpu.dma_semaphore, #tpu.memory_space<semaphore_mem>>)
    %dma_wait3A_38 = arith.constant 0 : i32
    %dma_wait3A_39 = arith.constant 0 : i32
    %dma_wait3A_40 = tpu.memref_slice %arg7[%dma_wait3A_38, %dma_wait3A_39] : memref<100000x32xf32, #tpu.memory_space<hbm>> -> memref<100000x32xf32, #tpu.memory_space<hbm>>
    tpu.wait_indirect_dma semaphore(%arg20 : memref<!tpu.dma_semaphore, #tpu.memory_space<semaphore_mem>>) src(%dma_wait3A_40 : memref<100000x32xf32, #tpu.memory_space<hbm>>) dst(%arg16 : memref<512x32xf32, #tpu.memory_space<vmem>>)
    %add3A_41 = arith.constant 16384 : i32
    %add3A_42 = arith.addi %add3A_41, %mul3A_2 : i32
    %dma_start3A_43 = arith.constant 0 : i32
    %dma_start3A_44 = tpu.memref_slice %arg10[%add3A_42, %dma_start3A_43] : memref<65536x32xf32, #tpu.memory_space<hbm>> -> memref<512x32xf32, #tpu.memory_space<hbm>>
    %dma_start3A_45 = arith.constant 0 : i32
    %dma_start3A_46 = tpu.memref_slice %arg10[%add3A_42, %dma_start3A_45] : memref<65536x32xf32, #tpu.memory_space<hbm>> -> memref<512x32xf32, #tpu.memory_space<hbm>>
    tpu.enqueue_dma source(%arg16 : memref<512x32xf32, #tpu.memory_space<vmem>>) target(%dma_start3A_46 : memref<512x32xf32, #tpu.memory_space<hbm>>) target_semaphore(%arg21 : memref<!tpu.dma_semaphore, #tpu.memory_space<semaphore_mem>>)
    %dma_wait3A_47 = arith.constant 0 : i32
    %dma_wait3A_48 = arith.constant 0 : i32
    %dma_wait3A_49 = tpu.memref_slice %arg8[%dma_wait3A_47, %dma_wait3A_48] : memref<1000000x32xf32, #tpu.memory_space<hbm>> -> memref<1000000x32xf32, #tpu.memory_space<hbm>>
    tpu.wait_indirect_dma semaphore(%arg20 : memref<!tpu.dma_semaphore, #tpu.memory_space<semaphore_mem>>) src(%dma_wait3A_49 : memref<1000000x32xf32, #tpu.memory_space<hbm>>) dst(%arg17 : memref<512x32xf32, #tpu.memory_space<vmem>>)
    %add3A_50 = arith.constant 32768 : i32
    %add3A_51 = arith.addi %add3A_50, %mul3A_2 : i32
    %dma_start3A_52 = arith.constant 0 : i32
    %dma_start3A_53 = tpu.memref_slice %arg10[%add3A_51, %dma_start3A_52] : memref<65536x32xf32, #tpu.memory_space<hbm>> -> memref<512x32xf32, #tpu.memory_space<hbm>>
    %dma_start3A_54 = arith.constant 0 : i32
    %dma_start3A_55 = tpu.memref_slice %arg10[%add3A_51, %dma_start3A_54] : memref<65536x32xf32, #tpu.memory_space<hbm>> -> memref<512x32xf32, #tpu.memory_space<hbm>>
    tpu.enqueue_dma source(%arg17 : memref<512x32xf32, #tpu.memory_space<vmem>>) target(%dma_start3A_55 : memref<512x32xf32, #tpu.memory_space<hbm>>) target_semaphore(%arg21 : memref<!tpu.dma_semaphore, #tpu.memory_space<semaphore_mem>>)
    %dma_wait3A_56 = arith.constant 0 : i32
    %dma_wait3A_57 = arith.constant 0 : i32
    %dma_wait3A_58 = tpu.memref_slice %arg9[%dma_wait3A_56, %dma_wait3A_57] : memref<100000x32xf32, #tpu.memory_space<hbm>> -> memref<100000x32xf32, #tpu.memory_space<hbm>>
    tpu.wait_indirect_dma semaphore(%arg20 : memref<!tpu.dma_semaphore, #tpu.memory_space<semaphore_mem>>) src(%dma_wait3A_58 : memref<100000x32xf32, #tpu.memory_space<hbm>>) dst(%arg18 : memref<512x32xf32, #tpu.memory_space<vmem>>)
    %add3A_59 = arith.constant 49152 : i32
    %add3A_60 = arith.addi %add3A_59, %mul3A_2 : i32
    %dma_start3A_61 = arith.constant 0 : i32
    %dma_start3A_62 = tpu.memref_slice %arg10[%add3A_60, %dma_start3A_61] : memref<65536x32xf32, #tpu.memory_space<hbm>> -> memref<512x32xf32, #tpu.memory_space<hbm>>
    %dma_start3A_63 = arith.constant 0 : i32
    %dma_start3A_64 = tpu.memref_slice %arg10[%add3A_60, %dma_start3A_63] : memref<65536x32xf32, #tpu.memory_space<hbm>> -> memref<512x32xf32, #tpu.memory_space<hbm>>
    tpu.enqueue_dma source(%arg18 : memref<512x32xf32, #tpu.memory_space<vmem>>) target(%dma_start3A_64 : memref<512x32xf32, #tpu.memory_space<hbm>>) target_semaphore(%arg21 : memref<!tpu.dma_semaphore, #tpu.memory_space<semaphore_mem>>)
    %dma_wait3A_65 = arith.constant 0 : i32
    %dma_wait3A_66 = tpu.memref_slice %arg10[%add3A_33, %dma_wait3A_65] : memref<65536x32xf32, #tpu.memory_space<hbm>> -> memref<512x32xf32, #tpu.memory_space<hbm>>
    %dma_wait3A_67 = arith.constant 0 : i32
    %dma_wait3A_68 = tpu.memref_slice %arg10[%add3A_33, %dma_wait3A_67] : memref<65536x32xf32, #tpu.memory_space<hbm>> -> memref<512x32xf32, #tpu.memory_space<hbm>>
    tpu.wait_dma2 semaphore(%arg21 : memref<!tpu.dma_semaphore, #tpu.memory_space<semaphore_mem>>) src(%arg15 : memref<512x32xf32, #tpu.memory_space<vmem>>) dst(%dma_wait3A_68 : memref<512x32xf32, #tpu.memory_space<hbm>>)
    %dma_wait3A_69 = arith.constant 0 : i32
    %dma_wait3A_70 = tpu.memref_slice %arg10[%add3A_42, %dma_wait3A_69] : memref<65536x32xf32, #tpu.memory_space<hbm>> -> memref<512x32xf32, #tpu.memory_space<hbm>>
    %dma_wait3A_71 = arith.constant 0 : i32
    %dma_wait3A_72 = tpu.memref_slice %arg10[%add3A_42, %dma_wait3A_71] : memref<65536x32xf32, #tpu.memory_space<hbm>> -> memref<512x32xf32, #tpu.memory_space<hbm>>
    tpu.wait_dma2 semaphore(%arg21 : memref<!tpu.dma_semaphore, #tpu.memory_space<semaphore_mem>>) src(%arg16 : memref<512x32xf32, #tpu.memory_space<vmem>>) dst(%dma_wait3A_72 : memref<512x32xf32, #tpu.memory_space<hbm>>)
    %dma_wait3A_73 = arith.constant 0 : i32
    %dma_wait3A_74 = tpu.memref_slice %arg10[%add3A_51, %dma_wait3A_73] : memref<65536x32xf32, #tpu.memory_space<hbm>> -> memref<512x32xf32, #tpu.memory_space<hbm>>
    %dma_wait3A_75 = arith.constant 0 : i32
    %dma_wait3A_76 = tpu.memref_slice %arg10[%add3A_51, %dma_wait3A_75] : memref<65536x32xf32, #tpu.memory_space<hbm>> -> memref<512x32xf32, #tpu.memory_space<hbm>>
    tpu.wait_dma2 semaphore(%arg21 : memref<!tpu.dma_semaphore, #tpu.memory_space<semaphore_mem>>) src(%arg17 : memref<512x32xf32, #tpu.memory_space<vmem>>) dst(%dma_wait3A_76 : memref<512x32xf32, #tpu.memory_space<hbm>>)
    %dma_wait3A_77 = arith.constant 0 : i32
    %dma_wait3A_78 = tpu.memref_slice %arg10[%add3A_60, %dma_wait3A_77] : memref<65536x32xf32, #tpu.memory_space<hbm>> -> memref<512x32xf32, #tpu.memory_space<hbm>>
    %dma_wait3A_79 = arith.constant 0 : i32
    %dma_wait3A_80 = tpu.memref_slice %arg10[%add3A_60, %dma_wait3A_79] : memref<65536x32xf32, #tpu.memory_space<hbm>> -> memref<512x32xf32, #tpu.memory_space<hbm>>
    tpu.wait_dma2 semaphore(%arg21 : memref<!tpu.dma_semaphore, #tpu.memory_space<semaphore_mem>>) src(%arg18 : memref<512x32xf32, #tpu.memory_space<vmem>>) dst(%dma_wait3A_80 : memref<512x32xf32, #tpu.memory_space<hbm>>)
    return
  }
}

</mosaic_0001>

<sc_bundles>
// kernel: kernel.3.cloned.1.call-start
scs
__scs_entry_jumppad:
0x0: {  	(pc) =	sbr.rel $0x88, $3  }
0x1: {  	(tag) =	ssettag $0x0;
	lr =	simm.s32 $0x1  }
0x2: {  	[smem:$0x3F99] =	sst lr;
	_ =	strace $0xD0000000  }
0x3: {  	_ = 	snop  }
0x4: {  	_ = 	snop  }
0x5: {  	_ = 	snop  }
0x6: {  	_ = 	snop  }
0x7: {  	_ = 	snop  }
__scs_overlays_trampoline_lowered:
0x8: {  	[smem:$0x3FA8] =	sst s0  }
0x9: {  	[smem:$0x3FA9] =	sst s1  }
0xa: {  	[smem:$0x3FAA] =	sst s2  }
0xb: {  	[smem:$0x3FAB] =	sst s3  }
0xc: {  	[smem:$0x3FAC] =	sst s4  }
0xd: {  	[smem:$0x3FAD] =	sst s5  }
0xe: {  	[smem:$0x3FAE] =	sst s6  }
0xf: {  	[smem:$0x3FAF] =	sst s7  }
0x10: {  	[smem:$0x3FB0] =	sst s8  }
0x11: {  	[smem:$0x3FB1] =	sst s9;
	s0 =	simm.s32 @!p0 $0x0  }
0x12: {  	s1 =	sld [smem:$0x3F97];
	s0 =	simm.s32 @p0 $0x1  }
0x13: {  	[smem:$0x3FB2] =	sst s0;
	s0 =	simm.s32 @!p1 $0x0  }
0x14: {  	s2 =	sld [smem:$0x3F96];
	s0 =	simm.s32 @p1 $0x1  }
0x15: {  	[smem:$0x3FB3] =	sst s0;
	s0 =	simm.s32 @!p2 $0x0  }
0x16: {  	s3 =	sld [smem:$0x3FDB];
	s0 =	simm.s32 @p2 $0x1  }
0x17: {  	s4 =	simm.s32 $0x1BF5;
	[smem:$0x3FB5] =	sst s0  }
0x18: {  	s0 =	sld [smem:$0x3F98];
	_ =	swait.ge [sflag:s4], $0x0  }
0x19: {  	s7 =	sld [smem:$0x3F99]  }
0x1a: {  	s8 =	sadd.s32 $0xFFFFE003, lr  }
0x1b: {  	s9 =	sadd.s32 $0xFFFFFEF7, lr;
	s5 =	simm.s32 $0xFFFFFFFF;
	p2 =	slt.u32 s8, $0xFFFFF086  }
0x1c: {  	p1 =	slt.u32 s9, $0xF7A;
	s5 =	simm.s32 @!p2 $0x0  }
0x1d: {  	s5 =	simm.s32 @p1 $0x1;
	p0 =	seq.s32 s7, s2  }
0x1e: {  	s7 =	smul.u32 @!p0 $0xF7A, s2;
	p2 =	seq.s32 @!p0 s5, $0x0  }
0x1f: {  	s9 =	smul.u32 $0xF7A, s1;
	s8 =	simm.s32 @!p0 $0x1BF5;
	p2 =	por !p2, p0  }
0x20: {  	[sflag:s8] =	ssyncset.s32 @!p0 $0xFFFFF086;
	s6 =	sadd.s32 @!p0 s3, s7;
	s7 =	simm.s32 @!p0 $0x108  }
0x21: {  	s3 =	sadd.s32 s3, s9;
	s6 =	sadd.s32 @!p0 $0x88, s6;
	s7 =	simm.s32 @p2 $0x1082  }
0x22: {  	[simem:s7], [sflag:s8] =	dma.local @!p0 [hbm:s6], $0xF7A  }
0x23: {  	s9 =	sor.u32 $0xD0000000, s2;
	s6 =	simm.s32 $0x108;
	_ =	swait.ge @!p0 [sflag:s8], $0x0  }
0x24: {  	s3 =	sadd.s32 $0x88, s3;
	s6 =	simm.s32 @!p1 $0x1082;
	[sflag:s4] =	ssyncset.s32 $0xFFFFF086  }
0x25: {  	[simem:s6], [sflag:s4] =	dma.local [hbm:s3], $0xF7A  }
0x26: {  	[smem:$0x3F99] =	sst s1;
	(tag) =	ssettag s2;
	_ =	strace s9  }
0x27: {  	s1 =	sld [smem:$0x3FA9]  }
0x28: {  	s2 =	sld [smem:$0x3FAA]  }
0x29: {  	s4 =	sld [smem:$0x3FAC]  }
0x2a: {  	p0 =	seq.s32 s5, $0x0;
	s5 =	sld [smem:$0x3FAD]  }
0x2b: {  	s6 =	sld [smem:$0x3FAE]  }
0x2c: {  	s7 =	sld [smem:$0x3FAF]  }
0x2d: {  	s3 =	simm.s32 $0x108;
	s8 =	sld [smem:$0x3FB0]  }
0x2e: {  	s3 =	simm.s32 @!p0 $0x1082;
	s9 =	sld [smem:$0x3FB1]  }
0x2f: {  	lr =	sadd.s32 s0, s3;
	s0 =	sld [smem:$0x3FA8]  }
0x30: {  	s3 =	sld [smem:$0x3FAB]  }
0x31: {  	[smem:$0x3FB4] =	sst s10  }
0x32: {  	s10 =	sld [smem:$0x3FB2];
	_ =	sdelay $0x3  }
0x33: {  	p0 =	seq.s32 s10, $0x1;
	s10 =	sld [smem:$0x3FB4];
	_ =	sdelay $0x3  }
0x34: {  	[smem:$0x3FB4] =	sst s10  }
0x35: {  	s10 =	sld [smem:$0x3FB3];
	_ =	sdelay $0x3  }
0x36: {  	p1 =	seq.s32 s10, $0x1;
	s10 =	sld [smem:$0x3FB4];
	_ =	sdelay $0x3  }
0x37: {  	[smem:$0x3FB4] =	sst s10  }
0x38: {  	s10 =	sld [smem:$0x3FB5]  }
0x39: {  	_ = 	snop;
	(pc) =	sbr.ind lr, $3  }
0x3a: {  	_ = 	snop  }
0x3b: {  	_ = 	snop  }
0x3c: {  	p2 =	seq.s32 s10, $0x1;
	s10 =	sld [smem:$0x3FB4]  }
0x3d: {  	_ =	shalt  }
0x3e: {  	_ =	shalt  }
0x3f: {  	_ =	shalt  }
0x40: {  	_ =	shalt  }
0x41: {  	_ =	shalt  }
0x42: {  	_ =	shalt  }
0x43: {  	_ =	shalt  }
0x44: {  	_ =	shalt  }
0x45: {  	_ =	shalt  }
0x46: {  	_ =	shalt  }
0x47: {  	_ =	shalt  }
0x48: {  	_ =	shalt  }
0x49: {  	_ =	shalt  }
0x4a: {  	_ =	shalt  }
0x4b: {  	_ =	shalt  }
0x4c: {  	_ =	shalt  }
0x4d: {  	_ =	shalt  }
0x4e: {  	_ =	shalt  }
0x4f: {  	_ =	shalt  }
0x50: {  	_ =	shalt  }
0x51: {  	_ =	shalt  }
0x52: {  	_ =	shalt  }
0x53: {  	_ =	shalt  }
0x54: {  	_ =	shalt  }
0x55: {  	_ =	shalt  }
0x56: {  	_ =	shalt  }
0x57: {  	_ =	shalt  }
0x58: {  	_ =	shalt  }
0x59: {  	_ =	shalt  }
0x5a: {  	_ =	shalt  }
0x5b: {  	_ =	shalt  }
0x5c: {  	_ =	shalt  }
0x5d: {  	_ =	shalt  }
0x5e: {  	_ =	shalt  }
0x5f: {  	_ =	shalt  }
0x60: {  	_ =	shalt  }
0x61: {  	_ =	shalt  }
0x62: {  	_ =	shalt  }
0x63: {  	_ =	shalt  }
0x64: {  	_ =	shalt  }
0x65: {  	_ =	shalt  }
0x66: {  	_ =	shalt  }
0x67: {  	_ =	shalt  }
0x68: {  	_ =	shalt  }
0x69: {  	_ =	shalt  }
0x6a: {  	_ =	shalt  }
0x6b: {  	_ =	shalt  }
0x6c: {  	_ =	shalt  }
0x6d: {  	_ =	shalt  }
0x6e: {  	_ =	shalt  }
0x6f: {  	_ =	shalt  }
0x70: {  	_ =	shalt  }
0x71: {  	_ =	shalt  }
0x72: {  	_ =	shalt  }
0x73: {  	_ =	shalt  }
0x74: {  	_ =	shalt  }
0x75: {  	_ =	shalt  }
0x76: {  	_ =	shalt  }
0x77: {  	_ =	shalt  }
0x78: {  	_ =	shalt  }
0x79: {  	_ =	shalt  }
0x7a: {  	_ =	shalt  }
0x7b: {  	_ =	shalt  }
0x7c: {  	_ =	shalt  }
0x7d: {  	_ =	shalt  }
0x7e: {  	_ =	shalt  }
0x7f: {  	_ =	shalt  }
0x80: {  	_ =	shalt  }
0x81: {  	_ =	shalt  }
0x82: {  	_ =	shalt  }
0x83: {  	_ =	shalt  }
0x84: {  	_ =	shalt  }
0x85: {  	_ =	shalt  }
0x86: {  	_ =	shalt  }
0x87: {  	_ =	shalt  }
.Lfunc_end0:
.L_simem_size_0:
called_computation_lowered:
.L_overlay_start_0:
0x88: {  	s2 =	sld [smem:$0x3FD9]  }
0x89: {  	s3 =	sld [smem:$0x3FFE];
	_ =	sdelay $0x1  }
0x8a: {  	s1 =	srdreg.scid  }
0x8b: {  	s0 =	sand.u32 $0x1, s1  }
0x8c: {  	s17 =	sshll.u32 s0, $0xA;
	s2 =	sadd.s32 s3, s2  }
0x8d: {  	s2 =	sadd.s32 s2, s17  }
0x8e: {  	[smem:$0x3FC0] =	sst s2  }
0x8f: {  	_ = 	snop  }
0x90: {  	s2 =	sld [smem:$0x3FC9]  }
0x91: {  	s18 =	sld [smem:$0x3FC8]  }
0x92: {  	s4 =	sld [smem:$0x3FC7]  }
0x93: {  	s5 =	sld [smem:$0x3FC6]  }
0x94: {  	s6 =	sld [smem:$0x3FD0];
	(tm) =	ssettm $0x1  }
0x95: {  	s7 =	sld [smem:$0x3FFB];
	_ =	sdelay $0x3  }
0x96: {  	_ =	strace s7  }
0x97: {  	s7 =	sld [smem:$0x3FFC];
	_ =	sdelay $0x3  }
0x98: {  	_ =	strace s7  }
0x99: {  	s7 =	sld [smem:$0x3FFD];
	_ =	sdelay $0x3  }
0x9a: {  	_ =	strace s7  }
0x9b: {  	_ =	strace $0x8FFFFFFF  }
0x9c: {  	s19 =	sld [smem:$0x3FDB];
	_ =	sdelay $0x1  }
0x9d: {  	s8 =	simm.s32 $_scs_section_size  }
0x9e: {  	s9 =	simm.s32 $_size__tile_overlayer_lowered;
	s10 =	simm.s32 $_tile_overlayer_lowered  }
0x9f: {  	s22 =	simm.s32 $0x1BFF;
	s21 =	sshll.u32 s10, $0x1;
	s7 =	sadd.s32 s8, s19  }
0xa0: {  	s11 =	simm.s32 $0x0;
	s20 =	sshll.u32 s9, $0x1;
	s9 =	sadd.s32 s21, s7  }
0xa1: {  	[timem:s11], [sflag:s22] =	dma.local [hbm:s9], s20  }
0xa2: {  	_ =	swait.ge [sflag:s22], s20  }
0xa3: {  	s8 =	ssub.s32 $0x0, s20;
	[sflag:s22] =	ssyncset.done $0x0  }
0xa4: {  	[sflag:s22] =	ssyncadd.s32 s8;
	_ =	sdelay $0x1  }
0xa5: {  	s23 =	simm.s32 $0x1B8B  }
0xa6: {  	_ =	swait.ge [sflag:s23], $0x1  }
0xa7: {  	[sflag:s23] =	ssyncset.done $0x0  }
0xa8: {  	s25 =	simm.s32 $0x1B8E;
	s24 =	sld [smem:$0x3FFE];
	[sflag:s23] =	ssyncadd.s32 $0xFFFFFFFF  }
0xa9: {  	s26 =	simm.s32 $execute0_lowered;
	[smem:$0x3FD2] =	sst s25  }
0xaa: {  	s9 =	sshll.u32 s26, $0x1;
	_ =	strace $0x80000046;
	[dreg:$0x1] =	wrdreg $0xFFFFFFFF  }
0xab: {  	s28 =	simm.s32 $_size_execute0_lowered;
	s7 =	sadd.s32 s7, s9;
	[dreg:$0x0] =	wrdreg $0x0  }
0xac: {  	s9 =	sshll.u32 s28, $0x1;
	[dreg:$0x2] =	wrdreg s7  }
0xad: {  	[dreg:$0x3] =	wrdreg s9  }
0xae: {  	[dreg:$0x4] =	wrdreg $0xC0  }
0xaf: {  	_ =	task [dreg:s11], $0x5FFFF  }
0xb0: {  	[dreg:$0x1] =	wrdreg $0xFFFFFFFF  }
0xb1: {  	[dreg:$0x0] =	wrdreg $0x60  }
0xb2: {  	[dreg:$0x2] =	wrdreg s2  }
0xb3: {  	[dreg:$0x3] =	wrdreg s18  }
0xb4: {  	[dreg:$0x4] =	wrdreg s4  }
0xb5: {  	[dreg:$0x5] =	wrdreg s5  }
0xb6: {  	[dreg:$0x6] =	wrdreg s24  }
0xb7: {  	[dreg:$0x7] =	wrdreg s6  }
0xb8: {  	[dreg:$0x8] =	wrdreg $0x9  }
0xb9: {  	_ =	task.clear_ibuf [dreg:s11], $0x9FFFF;
	_ =	strace $0x90000046  }
0xba: {  	s29 =	simm.s32 $0x9;
	_ =	strace $0x80000048  }
0xbb: {  	_ =	swait.ge [sflag:s29], $0x1  }
0xbc: {  	[sflag:s29] =	ssyncadd.s32 $0xFFFFFFFF  }
0xbd: {  	_ =	strace $0x90000048  }
0xbe: {  	_ =	sfence  }
0xbf: {  	s30 =	sld [smem:$0x0];
	_ =	sdelay $0x2  }
0xc0: {  	s31 =	sshll.u32 s1, $0xD;
	s1 =	sshrl.u32 s1, $0x2  }
0xc1: {  	s3 =	sand.u32 $0x4000, s31;
	s1 =	sadd.s32 s1, s30  }
0xc2: {  	s0 =	sor.u32 s3, s0;
	s1 =	sshll.u32 s1, $0x11  }
0xc3: {  	s0 =	sor.u32 s1, s0  }
0xc4: {  	s0 =	sadd.s32 $0x8F2B, s0  }
0xc5: {  	[sflag:s0] =	ssyncadd.remote.s32 $0x1  }
0xc6: {  	_ =	sfence.sel $0xFFFF  }
0xc7: {  	[dreg:$0x0] =	wrdreg $0xFFFFFFFF;
	(pc) =	sbr.abs _section_cstart, $3  }
0xc8: {  	[dreg:$0x1] =	wrdreg $0xFFFFFFFF  }
0xc9: {  	_ =	task.clear_ibuf [dreg:s11], $0x2FFFF;
	_ =	strace $0x9FFFFFFF  }
0xca: {  	(tm) =	ssettm $0x7FFFFFFF  }
0xcb: {  	_ =	shalt  }
tec
execute0_lowered:
.L_overlay_start_1:
0x0: {  	(tag) =	ssettag $0x1  }
0x1: {  	s3 =	rddreg [dreg:$0x0]  }
0x2: {  	s4 =	rddreg [dreg:$0x1]  }
0x3: {  	s6 =	rddreg [dreg:$0x2];
	s1 =	srdreg.scid  }
0x4: {  	s8 =	rddreg [dreg:$0x3];
	s0 =	stileid.u32;
	s25 =	sand.u32 $0x1, s1  }
0x5: {  	s17 =	rddreg [dreg:$0x4];
	s5 =	sshll.u32 s0, $0xA;
	s7 =	sshll.u32 s25, $0x9  }
0x6: {  	s20 =	rddreg [dreg:$0x5];
	s2 =	simm.s32 $0x0;
	s21 =	sor.u32 s7, s5  }
0x7: {  	[smem:$0x7FF] =	sst s2;
	s9 =	sshrl.u32 s21, $0x3  }
0x8: {  	s1 =	rddreg [dreg:$0x6];
	_ =	strace $0x80000047;
	s3 =	sadd.s32 s3, s9  }
0x9: {  	[tilespmem:s2], [sflag:$0x1] =	stream.linear.gather [hbm4b:s3+s2], $0x200, $0x38;
	[tilespmem:$0x10800] =	vst v63  }
0xa: {  	s5 =	simm.s32 $0x200;
	s4 =	sadd.s32 s4, s9  }
0xb: {  	[tilespmem:s5], [sflag:$0x1] =	stream.linear.gather [hbm4b:s4+s2], $0x200, $0x38;
	[tilespmem:$0x10800] =	vst v63  }
0xc: {  	s7 =	simm.s32 $0x400;
	s6 =	sadd.s32 s6, s9  }
0xd: {  	[tilespmem:s7], [sflag:$0x1] =	stream.linear.gather [hbm4b:s6+s2], $0x200, $0x38;
	[tilespmem:$0x10800] =	vst v63  }
0xe: {  	s10 =	simm.s32 $0x1;
	s8 =	sadd.s32 s8, s9;
	s9 =	simm.s32 $0x600  }
0xf: {  	[tilespmem:s9], [sflag:$0x1] =	stream.linear.gather [hbm4b:s8+s2], $0x200, $0x38;
	[tilespmem:$0x10800] =	vst v63  }
0x10: {  	_ =	swait.ge [sflag:s10], $0x200  }
0x11: {  	[sflag:s10] =	ssyncset.done $0x0  }
0x12: {  	[sflag:s10] =	ssyncadd.s32 $0xFFFFFE00  }
0x13: {  	_ =	swait.ge [sflag:s10], $0x200  }
0x14: {  	[sflag:s10] =	ssyncset.done $0x0  }
0x15: {  	[sflag:s10] =	ssyncadd.s32 $0xFFFFFE00  }
0x16: {  	_ =	swait.ge [sflag:s10], $0x200  }
0x17: {  	[sflag:s10] =	ssyncset.done $0x0  }
0x18: {  	[sflag:s10] =	ssyncadd.s32 $0xFFFFFE00  }
0x19: {  	_ =	swait.ge [sflag:s10], $0x200  }
0x1a: {  	[sflag:s10] =	ssyncset.done $0x0  }
0x1b: {  	s12 =	simm.s32 $0x800;
	s11 =	sadd.s32 $0x1800, s17;
	[sflag:s10] =	ssyncadd.s32 $0xFFFFFE00  }
0x1c: {  	[tilespmem:s12], [sflag:$0x2] =	stream.indirect.gather [hbm4b:s11+s5], $0x20, s2, s5, $0xb8;
	[tilespmem:$0x10800] =	vst v63  }
0x1d: {  	s14 =	simm.s32 $0x4800;
	s13 =	sadd.s32 $0x1E9E00, s17  }
0x1e: {  	[tilespmem:s14], [sflag:$0x2] =	stream.indirect.gather [hbm4b:s13+s5], $0x20, s5, s5, $0xb8;
	[tilespmem:$0x10800] =	vst v63  }
0x1f: {  	s16 =	simm.s32 $0x8800;
	s15 =	sadd.s32 $0xF43C00, s17  }
0x20: {  	[tilespmem:s16], [sflag:$0x2] =	stream.indirect.gather [hbm4b:s15+s5], $0x20, s7, s5, $0xb8;
	[tilespmem:$0x10800] =	vst v63  }
0x21: {  	s18 =	simm.s32 $0xC800;
	s19 =	simm.s32 $0x2;
	s17 =	sadd.s32 $0x188200, s17  }
0x22: {  	[tilespmem:s18], [sflag:$0x2] =	stream.indirect.gather [hbm4b:s17+s5], $0x20, s9, s5, $0xb8;
	[tilespmem:$0x10800] =	vst v63  }
0x23: {  	_ =	swait.ge [sflag:s19], $0x4000  }
0x24: {  	s21 =	sshll.u32 s21, $0x2;
	[sflag:s19] =	ssyncset.done $0x0  }
0x25: {  	s20 =	sadd.s32 s20, s21;
	[sflag:s19] =	ssyncadd.s32 $0xFFFFC000  }
0x26: {  	[hbm4b:s20+s2] =	stream.linear.scatter [tilespmem:s12], [sflag:$0x3], $0x4000, $0x38;
	[tilespmem:$0x10800] =	vst v63  }
0x27: {  	_ =	swait.ge [sflag:s19], $0x4000  }
0x28: {  	[sflag:s19] =	ssyncset.done $0x0  }
0x29: {  	s21 =	sadd.s32 $0x10000, s20;
	[sflag:s19] =	ssyncadd.s32 $0xFFFFC000  }
0x2a: {  	[hbm4b:s21+s2] =	stream.linear.scatter [tilespmem:s14], [sflag:$0x3], $0x4000, $0x38;
	[tilespmem:$0x10800] =	vst v63  }
0x2b: {  	_ =	swait.ge [sflag:s19], $0x4000  }
0x2c: {  	[sflag:s19] =	ssyncset.done $0x0  }
0x2d: {  	s22 =	sadd.s32 $0x20000, s20;
	[sflag:s19] =	ssyncadd.s32 $0xFFFFC000  }
0x2e: {  	[hbm4b:s22+s2] =	stream.linear.scatter [tilespmem:s16], [sflag:$0x3], $0x4000, $0x38;
	[tilespmem:$0x10800] =	vst v63  }
0x2f: {  	_ =	swait.ge [sflag:s19], $0x4000  }
0x30: {  	[sflag:s19] =	ssyncset.done $0x0  }
0x31: {  	s23 =	simm.s32 $0x3;
	s24 =	sadd.s32 $0x30000, s20;
	[sflag:s19] =	ssyncadd.s32 $0xFFFFC000  }
0x32: {  	[hbm4b:s24+s2] =	stream.linear.scatter [tilespmem:s18], [sflag:$0x3], $0x4000, $0x38;
	[tilespmem:$0x10800] =	vst v63  }
0x33: {  	_ =	swait.ge [sflag:s23], $0x4000  }
0x34: {  	s25 =	ssub.s32 $0x2, s25;
	[sflag:s23] =	ssyncset.done $0x0  }
0x35: {  	s26 =	sshrl.u32 s25, $0x1;
	[sflag:s23] =	ssyncadd.s32 $0xFFFFC000  }
0x36: {  	s25 =	ssub.s32 s25, s26;
	_ =	swait.ge [sflag:s23], $0x4000  }
0x37: {  	s25 =	smax.u32 s25, $0x1;
	[sflag:s23] =	ssyncset.done $0x0  }
0x38: {  	p0 =	sne.s32 s25, $0x1;
	[sflag:s23] =	ssyncadd.s32 $0xFFFFC000  }
.Ltmp0:
0x39: {  	_ =	swait.ge [sflag:s23], $0x4000;
	(pc) =	sbr.rel @!p0 .LBB2_2-.Ltmp0, $4  }
0x3a: {  	[sflag:s23] =	ssyncset.done $0x0  }
0x3b: {  	[sflag:s23] =	ssyncadd.s32 $0xFFFFC000  }
0x3c: {  	_ =	swait.ge [sflag:s23], $0x4000  }
0x3d: {  	s25 =	sadd.s32 $0xFFFFFFFF, s25;
	[sflag:s23] =	ssyncset.done $0x0  }
.LBB2_1:
0x3e: {  	p0 =	sne.s32 s25, $0x1;
	s25 =	sadd.s32 $0xFFFFFFFF, s25;
	[sflag:s23] =	ssyncadd.s32 $0xFFFFC000  }
0x3f: {  	[tilespmem:s2], [sflag:$0x1] =	stream.linear.gather [hbm4b:s3+s2], $0x200, $0x38;
	[tilespmem:$0x10800] =	vst v63  }
0x40: {  	_ = 	snop  }
0x41: {  	[tilespmem:s5], [sflag:$0x1] =	stream.linear.gather [hbm4b:s4+s2], $0x200, $0x38;
	[tilespmem:$0x10800] =	vst v63  }
0x42: {  	_ = 	snop  }
0x43: {  	[tilespmem:s7], [sflag:$0x1] =	stream.linear.gather [hbm4b:s6+s2], $0x200, $0x38;
	[tilespmem:$0x10800] =	vst v63  }
0x44: {  	_ = 	snop  }
0x45: {  	[tilespmem:s9], [sflag:$0x1] =	stream.linear.gather [hbm4b:s8+s2], $0x200, $0x38;
	[tilespmem:$0x10800] =	vst v63  }
0x46: {  	_ =	swait.ge [sflag:s10], $0x200  }
0x47: {  	[sflag:s10] =	ssyncset.done $0x0  }
0x48: {  	[sflag:s10] =	ssyncadd.s32 $0xFFFFFE00  }
0x49: {  	_ =	swait.ge [sflag:s10], $0x200  }
0x4a: {  	[sflag:s10] =	ssyncset.done $0x0  }
0x4b: {  	[sflag:s10] =	ssyncadd.s32 $0xFFFFFE00  }
0x4c: {  	_ =	swait.ge [sflag:s10], $0x200  }
0x4d: {  	[sflag:s10] =	ssyncset.done $0x0  }
0x4e: {  	[sflag:s10] =	ssyncadd.s32 $0xFFFFFE00  }
0x4f: {  	_ =	swait.ge [sflag:s10], $0x200  }
0x50: {  	[sflag:s10] =	ssyncset.done $0x0  }
0x51: {  	[sflag:s10] =	ssyncadd.s32 $0xFFFFFE00  }
0x52: {  	[tilespmem:s12], [sflag:$0x2] =	stream.indirect.gather [hbm4b:s11+s5], $0x20, s2, s5, $0xb8;
	[tilespmem:$0x10800] =	vst v63  }
0x53: {  	_ = 	snop  }
0x54: {  	[tilespmem:s14], [sflag:$0x2] =	stream.indirect.gather [hbm4b:s13+s5], $0x20, s5, s5, $0xb8;
	[tilespmem:$0x10800] =	vst v63  }
0x55: {  	_ = 	snop  }
0x56: {  	[tilespmem:s16], [sflag:$0x2] =	stream.indirect.gather [hbm4b:s15+s5], $0x20, s7, s5, $0xb8;
	[tilespmem:$0x10800] =	vst v63  }
0x57: {  	_ = 	snop  }
0x58: {  	[tilespmem:s18], [sflag:$0x2] =	stream.indirect.gather [hbm4b:s17+s5], $0x20, s9, s5, $0xb8;
	[tilespmem:$0x10800] =	vst v63  }
0x59: {  	_ =	swait.ge [sflag:s19], $0x4000  }
0x5a: {  	[sflag:s19] =	ssyncset.done $0x0  }
0x5b: {  	[sflag:s19] =	ssyncadd.s32 $0xFFFFC000  }
0x5c: {  	[hbm4b:s20+s2] =	stream.linear.scatter [tilespmem:s12], [sflag:$0x3], $0x4000, $0x38;
	[tilespmem:$0x10800] =	vst v63  }
0x5d: {  	_ =	swait.ge [sflag:s19], $0x4000  }
0x5e: {  	[sflag:s19] =	ssyncset.done $0x0  }
0x5f: {  	[sflag:s19] =	ssyncadd.s32 $0xFFFFC000  }
0x60: {  	[hbm4b:s21+s2] =	stream.linear.scatter [tilespmem:s14], [sflag:$0x3], $0x4000, $0x38;
	[tilespmem:$0x10800] =	vst v63  }
0x61: {  	_ =	swait.ge [sflag:s19], $0x4000  }
0x62: {  	[sflag:s19] =	ssyncset.done $0x0  }
0x63: {  	[sflag:s19] =	ssyncadd.s32 $0xFFFFC000  }
0x64: {  	[hbm4b:s22+s2] =	stream.linear.scatter [tilespmem:s16], [sflag:$0x3], $0x4000, $0x38;
	[tilespmem:$0x10800] =	vst v63  }
0x65: {  	_ =	swait.ge [sflag:s19], $0x4000  }
0x66: {  	[sflag:s19] =	ssyncset.done $0x0  }
0x67: {  	[sflag:s19] =	ssyncadd.s32 $0xFFFFC000  }
0x68: {  	[hbm4b:s24+s2] =	stream.linear.scatter [tilespmem:s18], [sflag:$0x3], $0x4000, $0x38;
	[tilespmem:$0x10800] =	vst v63  }
0x69: {  	_ =	swait.ge [sflag:s23], $0x4000  }
0x6a: {  	[sflag:s23] =	ssyncset.done $0x0  }
0x6b: {  	[sflag:s23] =	ssyncadd.s32 $0xFFFFC000  }
0x6c: {  	_ =	swait.ge [sflag:s23], $0x4000  }
0x6d: {  	[sflag:s23] =	ssyncset.done $0x0  }
0x6e: {  	[sflag:s23] =	ssyncadd.s32 $0xFFFFC000  }
.Ltmp1:
0x6f: {  	_ =	swait.ge [sflag:s23], $0x4000;
	(pc) =	sbr.rel @p0 .LBB2_1-.Ltmp1, $4  }
0x70: {  	[sflag:s23] =	ssyncset.done $0x0  }
0x71: {  	[sflag:s23] =	ssyncadd.s32 $0xFFFFC000  }
0x72: {  	_ =	swait.ge [sflag:s23], $0x4000  }
0x73: {  	[sflag:s23] =	ssyncset.done $0x0  }
.LBB2_2:
0x74: {  	[sflag:s23] =	ssyncadd.s32 $0xFFFFC000  }
0x75: {  	_ =	sfence.sel $0x180000  }
0x76: {  	[bflag:$0x0] =	sbarrier.arrive $0xFFFF  }
0x77: {  	p0 =	sne.s32 s0, $0x0;
	_ =	strace $0x90000047  }
0x78: {  	s0 =	sadd.s32 @!p0 $0x100000, s1;
	[bflag:$0x2] =	sbarrier.arrive $0xFFFF  }
0x79: {  	[sflag:s0] =	ssyncadd.tile.s32 @!p0 $0x1;
	_ =	shalt  }
.Lfunc_end2:
_tile_overlayer_lowered:
.L_overlay_start_2:
0x7a: {  	(tag) =	ssettag $0x2  }
0x7b: {  	s0 =	rddreg [dreg:$0x0];
	s2 =	stileid.u32  }
0x7c: {  	s1 =	rddreg [dreg:$0x1];
	p0 =	sne.s32 s2, $0x0  }
0x7d: {  	s3 =	rddreg [dreg:$0x2];
	[bflag:$0x3] =	sbarrier.arrive $0xFFFF;
	s2 =	simm.s32 @!p0 $0x1C04  }
0x7e: {  	[timem:s3], [sflag:s2] =	dma.local @!p0 [hbm:s0], s1  }
0x7f: {  	s0 =	simm.s32 @!p0 $0x4  }
0x80: {  	_ =	swait.ge @!p0 [sflag:s0], s1  }
0x81: {  	s1 =	ssub.s32 @!p0 $0x0, s1;
	[sflag:s0] =	ssyncset.done @!p0 $0x0  }
0x82: {  	[sflag:s0] =	ssyncadd.s32 @!p0 s1  }
0x83: {  	[bflag:$0x3] =	sbarrier.arrive $0xFFFF  }
0x84: {  	_ =	shalt  }

</sc_bundles>
